<compile_context>
chip_gen: v7x
topology: tpu7x:2x2x1
jax: 0.10.2.dev20260603
libtpu: 0.0.44.dev20260713+nightly
codegen_flags: <defaults>
</compile_context>

<pallas_src>
import functools

import jax
import jax.numpy as jnp
from jax import lax
from jax.experimental import pallas as pl
from jax.experimental.pallas import tpu as pltpu
from jax.experimental.pallas import tpu_sc as plsc

_LANES = 16


def _sc_gather_coeffs(table_a, table_b, timesteps):
    num_steps = table_a.shape[0]
    batch = timesteps.shape[0]
    mesh = plsc.VectorSubcoreMesh(core_axis_name="c", subcore_axis_name="s")
    num_workers = mesh.num_cores * mesh.num_subcores
    bpw = batch // num_workers

    @functools.partial(
        pl.kernel,
        out_type=(
            jax.ShapeDtypeStruct((batch,), jnp.float32),
            jax.ShapeDtypeStruct((batch,), jnp.float32),
        ),
        mesh=mesh,
        compiler_params=pltpu.CompilerParams(needs_layout_passes=False),
        scratch_types=[
            pltpu.VMEM((bpw,), jnp.int32),
            pltpu.VMEM((num_steps,), jnp.float32),
            pltpu.VMEM((num_steps,), jnp.float32),
            pltpu.VMEM((bpw,), jnp.float32),
            pltpu.VMEM((bpw,), jnp.float32),
            pltpu.SemaphoreType.DMA,
        ],
    )
    def gather_kernel(ta_hbm, tb_hbm, ts_hbm, a_hbm, b_hbm,
                      idx_v, ta_v, tb_v, av_v, bv_v, sem):
        wid = lax.axis_index("s") * mesh.num_cores + lax.axis_index("c")
        base = wid * bpw
        copies = (
            pltpu.make_async_copy(ts_hbm.at[pl.ds(base, bpw)], idx_v, sem),
            pltpu.make_async_copy(ta_hbm, ta_v, sem),
            pltpu.make_async_copy(tb_hbm, tb_v, sem),
        )
        for cp in copies:
            cp.start()
        for cp in copies:
            cp.wait()

        @plsc.parallel_loop(0, bpw, _LANES, unroll=8)
        def gather_body(off):
            iv = idx_v[pl.ds(off, _LANES)]
            av_v[pl.ds(off, _LANES)] = plsc.load_gather(ta_v, [iv])
            bv_v[pl.ds(off, _LANES)] = plsc.load_gather(tb_v, [iv])

        out_copies = (
            pltpu.make_async_copy(av_v, a_hbm.at[pl.ds(base, bpw)], sem),
            pltpu.make_async_copy(bv_v, b_hbm.at[pl.ds(base, bpw)], sem),
        )
        for cp in out_copies:
            cp.start()
        for cp in out_copies:
            cp.wait()

    return gather_kernel(table_a, table_b, timesteps)


def _tc_scale_add(x_start, noise, coeff_a, coeff_b):
    batch, dim = x_start.shape
    blk = 8192
    grid = (batch // blk,)

    def body(x_ref, n_ref, a_ref, b_ref, o_ref):
        a = a_ref[...][:, None]
        b = b_ref[...][:, None]
        o_ref[...] = a * x_ref[...] + b * n_ref[...]

    return pl.pallas_call(
        body,
        grid=grid,
        in_specs=[
            pl.BlockSpec((blk, dim), lambda i: (i, 0)),
            pl.BlockSpec((blk, dim), lambda i: (i, 0)),
            pl.BlockSpec((blk,), lambda i: (i,)),
            pl.BlockSpec((blk,), lambda i: (i,)),
        ],
        out_specs=pl.BlockSpec((blk, dim), lambda i: (i, 0)),
        out_shape=jax.ShapeDtypeStruct((batch, dim), jnp.float32),
        compiler_params=pltpu.CompilerParams(
            dimension_semantics=("arbitrary",)),
    )(x_start, noise, coeff_a, coeff_b)


def kernel(x_start, noise, sqrt_alphas_cumprod, sqrt_one_minus_alphas_cumprod,
           timesteps):
    ts = timesteps.astype(jnp.int32)
    coeff_a, coeff_b = _sc_gather_coeffs(
        sqrt_alphas_cumprod, sqrt_one_minus_alphas_cumprod, ts)
    return _tc_scale_add(x_start, noise, coeff_a, coeff_b)

# --- scband reference (transcript-rebuilt; emitter-appended) ---
"""Pipeline reference for scband-diffusion-schedule-25649544692445 (READ-ONLY COPY).

The authoritative reference and input builder live on the scoring server;
editing this copy changes nothing except your own understanding.
"""

import jax, jax.numpy as jnp
import numpy as np

NUM_STEPS = 1000
BETA_START = 1e-4
BETA_END = 0.02
BATCH = 16384
DIM = 128


def setup_inputs(seed: int = 0) -> dict:
    key = jax.random.key(seed)
    k1, k2, k3 = jax.random.split(key, 3)
    # Schedule buffers (constructed exactly as in DiffusionSchedule.__init__)
    betas = jnp.linspace(BETA_START, BETA_END, NUM_STEPS, dtype=jnp.float32)
    alphas = 1.0 - betas
    alphas_cumprod = jnp.cumprod(alphas, axis=0)
    sqrt_alphas_cumprod = jnp.sqrt(alphas_cumprod)
    sqrt_one_minus_alphas_cumprod = jnp.sqrt(1.0 - alphas_cumprod)
    x_start = jax.random.normal(k1, (BATCH, DIM), dtype=jnp.float32)
    noise = jax.random.normal(k2, (BATCH, DIM), dtype=jnp.float32)
    timesteps = jax.random.randint(k3, (BATCH,), 0, NUM_STEPS, dtype=jnp.int64 if jax.config.read('jax_enable_x64') else jnp.int32)
    return {
        'x_start': x_start,
        'noise': noise,
        'sqrt_alphas_cumprod': sqrt_alphas_cumprod,
        'sqrt_one_minus_alphas_cumprod': sqrt_one_minus_alphas_cumprod,
        'timesteps': timesteps,
    }


def reference(x_start, noise, sqrt_alphas_cumprod, sqrt_one_minus_alphas_cumprod, timesteps):
    # q_sample: extract() == gather(buffer, 0, timesteps) then broadcast over feature dims
    sqrt_alpha_bar = jnp.take(sqrt_alphas_cumprod, timesteps, axis=0)[:, None]
    sqrt_one_minus_alpha_bar = jnp.take(sqrt_one_minus_alphas_cumprod, timesteps, axis=0)[:, None]
    return sqrt_alpha_bar * x_start + sqrt_one_minus_alpha_bar * noise

if __name__ == "__main__":
    import jax
    _d = setup_inputs()
    print(jax.jit(kernel)(*tuple(_d.values())))

</pallas_src>

<mosaic_0001>
#map = affine_map<(d0, d1) -> (0)>
module attributes {stable_mosaic.version = 14 : i64} {
  func.func @gather_kernel(%arg0: i32, %arg1: i32, %arg2: memref<1000xf32, #tpu.memory_space<hbm>>, %arg3: memref<1000xf32, #tpu.memory_space<hbm>>, %arg4: memref<16384xi32, #tpu.memory_space<hbm>>, %arg5: memref<16384xf32, #tpu.memory_space<hbm>>, %arg6: memref<16384xf32, #tpu.memory_space<hbm>>, %arg7: memref<512xi32, #tpu.memory_space<vmem>>, %arg8: memref<1000xf32, #tpu.memory_space<vmem>>, %arg9: memref<1000xf32, #tpu.memory_space<vmem>>, %arg10: memref<512xf32, #tpu.memory_space<vmem>>, %arg11: memref<512xf32, #tpu.memory_space<vmem>>, %arg12: memref<!tpu.dma_semaphore, #tpu.memory_space<semaphore_mem>>) attributes {dimension_semantics = [#tpu.dimension_semantics<core_parallel>, #tpu.dimension_semantics<subcore_parallel>], iteration_bounds = array<i64: 2, 16>, scalar_prefetch = 0 : i64, scratch_operands = 6 : i64, tpu.core_type = #tpu.core_type<sc_vector_subcore>, window_params = [{transform_indices = #map}, {transform_indices = #map}, {transform_indices = #map}, {transform_indices = #map}, {transform_indices = #map}]} {
    %mul3A = arith.constant 2 : i32
    %mul3A_0 = arith.muli %arg1, %mul3A : i32
    %add3A = arith.addi %mul3A_0, %arg0 : i32
    %mul3A_1 = arith.constant 512 : i32
    %mul3A_2 = arith.muli %add3A, %mul3A_1 : i32
    %dma_start3A = tpu.memref_slice %arg4[%mul3A_2] : memref<16384xi32, #tpu.memory_space<hbm>> -> memref<512xi32, #tpu.memory_space<hbm>>
    %dma_start3A_3 = tpu.memref_slice %arg4[%mul3A_2] : memref<16384xi32, #tpu.memory_space<hbm>> -> memref<512xi32, #tpu.memory_space<hbm>>
    tpu.enqueue_dma source(%dma_start3A_3 : memref<512xi32, #tpu.memory_space<hbm>>) target(%arg7 : memref<512xi32, #tpu.memory_space<vmem>>) target_semaphore(%arg12 : memref<!tpu.dma_semaphore, #tpu.memory_space<semaphore_mem>>)
    tpu.enqueue_dma source(%arg2 : memref<1000xf32, #tpu.memory_space<hbm>>) target(%arg8 : memref<1000xf32, #tpu.memory_space<vmem>>) target_semaphore(%arg12 : memref<!tpu.dma_semaphore, #tpu.memory_space<semaphore_mem>>)
    tpu.enqueue_dma source(%arg3 : memref<1000xf32, #tpu.memory_space<hbm>>) target(%arg9 : memref<1000xf32, #tpu.memory_space<vmem>>) target_semaphore(%arg12 : memref<!tpu.dma_semaphore, #tpu.memory_space<semaphore_mem>>)
    %dma_wait3A = tpu.memref_slice %arg4[%mul3A_2] : memref<16384xi32, #tpu.memory_space<hbm>> -> memref<512xi32, #tpu.memory_space<hbm>>
    %dma_wait3A_4 = tpu.memref_slice %arg4[%mul3A_2] : memref<16384xi32, #tpu.memory_space<hbm>> -> memref<512xi32, #tpu.memory_space<hbm>>
    tpu.wait_dma2 semaphore(%arg12 : memref<!tpu.dma_semaphore, #tpu.memory_space<semaphore_mem>>) src(%dma_wait3A_4 : memref<512xi32, #tpu.memory_space<hbm>>) dst(%arg7 : memref<512xi32, #tpu.memory_space<vmem>>)
    tpu.wait_dma2 semaphore(%arg12 : memref<!tpu.dma_semaphore, #tpu.memory_space<semaphore_mem>>) src(%arg2 : memref<1000xf32, #tpu.memory_space<hbm>>) dst(%arg8 : memref<1000xf32, #tpu.memory_space<vmem>>)
    tpu.wait_dma2 semaphore(%arg12 : memref<!tpu.dma_semaphore, #tpu.memory_space<semaphore_mem>>) src(%arg3 : memref<1000xf32, #tpu.memory_space<hbm>>) dst(%arg9 : memref<1000xf32, #tpu.memory_space<vmem>>)
    %parallel_loop3A = arith.constant 0 : i32
    %parallel_loop3A_5 = arith.constant 512 : i32
    %parallel_loop3A_6 = arith.constant 16 : i32
    scf.for %parallel_loop3A_15 = %parallel_loop3A to %parallel_loop3A_5 step %parallel_loop3A_6  : i32 {
      %parallel_loop3A_16 = arith.index_cast %parallel_loop3A_15 : i32 to index
      %parallel_loop3A_17 = tpu.vector_load %arg7[%parallel_loop3A_16] {strides = array<i32>} : memref<512xi32, #tpu.memory_space<vmem>>, vector<16xi32>,
      %parallel_loop3A_18 = tpu.vector_load_idx %arg8[%parallel_loop3A_17] : memref<1000xf32, #tpu.memory_space<vmem>>[vector<16xi32>], vector<16xf32>,
      %parallel_loop3A_19 = arith.index_cast %parallel_loop3A_15 : i32 to index
      %parallel_loop3A_20 = tpu.vector_load %arg10[%parallel_loop3A_19] {strides = array<i32>} : memref<512xf32, #tpu.memory_space<vmem>>, vector<16xf32>,
      tpu.vector_store %arg10[%parallel_loop3A_19], %parallel_loop3A_18 {strides = array<i32>} : memref<512xf32, #tpu.memory_space<vmem>>, vector<16xf32>,
      %parallel_loop3A_21 = tpu.vector_load_idx %arg9[%parallel_loop3A_17] : memref<1000xf32, #tpu.memory_space<vmem>>[vector<16xi32>], vector<16xf32>,
      %parallel_loop3A_22 = arith.index_cast %parallel_loop3A_15 : i32 to index
      %parallel_loop3A_23 = tpu.vector_load %arg11[%parallel_loop3A_22] {strides = array<i32>} : memref<512xf32, #tpu.memory_space<vmem>>, vector<16xf32>,
      tpu.vector_store %arg11[%parallel_loop3A_22], %parallel_loop3A_21 {strides = array<i32>} : memref<512xf32, #tpu.memory_space<vmem>>, vector<16xf32>,
    } {sc.loop_unroll_factor = 8 : i64, sc.parallel_access}
    %dma_start3A_7 = tpu.memref_slice %arg5[%mul3A_2] : memref<16384xf32, #tpu.memory_space<hbm>> -> memref<512xf32, #tpu.memory_space<hbm>>
    %dma_start3A_8 = tpu.memref_slice %arg5[%mul3A_2] : memref<16384xf32, #tpu.memory_space<hbm>> -> memref<512xf32, #tpu.memory_space<hbm>>
    tpu.enqueue_dma source(%arg10 : memref<512xf32, #tpu.memory_space<vmem>>) target(%dma_start3A_8 : memref<512xf32, #tpu.memory_space<hbm>>) target_semaphore(%arg12 : memref<!tpu.dma_semaphore, #tpu.memory_space<semaphore_mem>>)
    %dma_start3A_9 = tpu.memref_slice %arg6[%mul3A_2] : memref<16384xf32, #tpu.memory_space<hbm>> -> memref<512xf32, #tpu.memory_space<hbm>>
    %dma_start3A_10 = tpu.memref_slice %arg6[%mul3A_2] : memref<16384xf32, #tpu.memory_space<hbm>> -> memref<512xf32, #tpu.memory_space<hbm>>
    tpu.enqueue_dma source(%arg11 : memref<512xf32, #tpu.memory_space<vmem>>) target(%dma_start3A_10 : memref<512xf32, #tpu.memory_space<hbm>>) target_semaphore(%arg12 : memref<!tpu.dma_semaphore, #tpu.memory_space<semaphore_mem>>)
    %dma_wait3A_11 = tpu.memref_slice %arg5[%mul3A_2] : memref<16384xf32, #tpu.memory_space<hbm>> -> memref<512xf32, #tpu.memory_space<hbm>>
    %dma_wait3A_12 = tpu.memref_slice %arg5[%mul3A_2] : memref<16384xf32, #tpu.memory_space<hbm>> -> memref<512xf32, #tpu.memory_space<hbm>>
    tpu.wait_dma2 semaphore(%arg12 : memref<!tpu.dma_semaphore, #tpu.memory_space<semaphore_mem>>) src(%arg10 : memref<512xf32, #tpu.memory_space<vmem>>) dst(%dma_wait3A_12 : memref<512xf32, #tpu.memory_space<hbm>>)
    %dma_wait3A_13 = tpu.memref_slice %arg6[%mul3A_2] : memref<16384xf32, #tpu.memory_space<hbm>> -> memref<512xf32, #tpu.memory_space<hbm>>
    %dma_wait3A_14 = tpu.memref_slice %arg6[%mul3A_2] : memref<16384xf32, #tpu.memory_space<hbm>> -> memref<512xf32, #tpu.memory_space<hbm>>
    tpu.wait_dma2 semaphore(%arg12 : memref<!tpu.dma_semaphore, #tpu.memory_space<semaphore_mem>>) src(%arg11 : memref<512xf32, #tpu.memory_space<vmem>>) dst(%dma_wait3A_14 : memref<512xf32, #tpu.memory_space<hbm>>)
    return
  }
}

module attributes {stable_mosaic.version = 14 : i64} {
  func.func @body(%arg0: i32, %arg1: memref<8192x128xf32, #tpu.memory_space<vmem>>, %arg2: memref<8192x128xf32, #tpu.memory_space<vmem>>, %arg3: memref<8192xf32, #tpu.memory_space<vmem>>, %arg4: memref<8192xf32, #tpu.memory_space<vmem>>, %arg5: memref<8192x128xf32, #tpu.memory_space<vmem>>) attributes {dimension_semantics = [#tpu.dimension_semantics<arbitrary>], iteration_bounds = array<i64: 2>, scalar_prefetch = 0 : i64, scratch_operands = 0 : i64, tpu.core_type = #tpu.core_type<tc>, window_params = [{transform_indices = @transform_0, window_bounds = array<i64: 8192, 128>}, {transform_indices = @transform_1, window_bounds = array<i64: 8192, 128>}, {transform_indices = @transform_2, window_bounds = array<i64: 8192>}, {transform_indices = @transform_3, window_bounds = array<i64: 8192>}, {transform_indices = @transform_4, window_bounds = array<i64: 8192, 128>}]} {
    %get3A = arith.constant 0 : index
    %get3A_0 = vector.load %arg3[%get3A] : memref<8192xf32, #tpu.memory_space<vmem>>, vector<8192xf32>
    %broadcast_in_dim3A = vector.shape_cast %get3A_0 : vector<8192xf32> to vector<8192x1xf32>
    %get3A_1 = arith.constant 0 : index
    %get3A_2 = vector.load %arg4[%get3A_1] : memref<8192xf32, #tpu.memory_space<vmem>>, vector<8192xf32>
    %broadcast_in_dim3A_3 = vector.shape_cast %get3A_2 : vector<8192xf32> to vector<8192x1xf32>
    %get3A_4 = arith.constant 0 : index
    %get3A_5 = arith.constant 0 : index
    %get3A_6 = vector.load %arg1[%get3A_4, %get3A_5] : memref<8192x128xf32, #tpu.memory_space<vmem>>, vector<8192x128xf32>
    %mul3A = vector.broadcast %broadcast_in_dim3A : vector<8192x1xf32> to vector<8192x128xf32>
    %mul3A_7 = arith.mulf %mul3A, %get3A_6 : vector<8192x128xf32>
    %get3A_8 = arith.constant 0 : index
    %get3A_9 = arith.constant 0 : index
    %get3A_10 = vector.load %arg2[%get3A_8, %get3A_9] : memref<8192x128xf32, #tpu.memory_space<vmem>>, vector<8192x128xf32>
    %mul3A_11 = vector.broadcast %broadcast_in_dim3A_3 : vector<8192x1xf32> to vector<8192x128xf32>
    %mul3A_12 = arith.mulf %mul3A_11, %get3A_10 : vector<8192x128xf32>
    %add3A = arith.addf %mul3A_7, %mul3A_12 : vector<8192x128xf32>
    %swap3A = arith.constant 0 : index
    %swap3A_13 = arith.constant 0 : index
    %swap3A_14 = vector.load %arg5[%swap3A, %swap3A_13] : memref<8192x128xf32, #tpu.memory_space<vmem>>, vector<8192x128xf32>
    tpu.vector_store %arg5[%swap3A, %swap3A_13], %add3A {strides = array<i32>} : memref<8192x128xf32, #tpu.memory_space<vmem>>, vector<8192x128xf32>,
    return
  }
  func.func @transform_0(%arg0: i32) -> (i32, i32) {
    %c0_i32 = arith.constant 0 : i32
    %c0_i32_0 = arith.constant 0 : i32
    return %arg0, %c0_i32 : i32, i32
  }
  func.func @transform_1(%arg0: i32) -> (i32, i32) {
    %c0_i32 = arith.constant 0 : i32
    %c0_i32_0 = arith.constant 0 : i32
    return %arg0, %c0_i32 : i32, i32
  }
  func.func @transform_2(%arg0: i32) -> i32 {
    %c0_i32 = arith.constant 0 : i32
    return %arg0 : i32
  }
  func.func @transform_3(%arg0: i32) -> i32 {
    %c0_i32 = arith.constant 0 : i32
    return %arg0 : i32
  }
  func.func @transform_4(%arg0: i32) -> (i32, i32) {
    %c0_i32 = arith.constant 0 : i32
    %c0_i32_0 = arith.constant 0 : i32
    return %arg0, %c0_i32 : i32, i32
  }
}

</mosaic_0001>

<sc_bundles>
// kernel: kernel.4.cloned.1.call-start
scs
__scs_entry_jumppad:
0x0: {  	(pc) =	sbr.rel $0x88, $3  }
0x1: {  	(tag) =	ssettag $0x0;
	lr =	simm.s32 $0x1  }
0x2: {  	[smem:$0x3F9C] =	sst lr;
	_ =	strace $0xD0000000  }
0x3: {  	_ = 	snop  }
0x4: {  	_ = 	snop  }
0x5: {  	_ = 	snop  }
0x6: {  	_ = 	snop  }
0x7: {  	_ = 	snop  }
__scs_overlays_trampoline_lowered:
0x8: {  	[smem:$0x3FAB] =	sst s0  }
0x9: {  	[smem:$0x3FAC] =	sst s1  }
0xa: {  	[smem:$0x3FAD] =	sst s2  }
0xb: {  	[smem:$0x3FAE] =	sst s3  }
0xc: {  	[smem:$0x3FAF] =	sst s4  }
0xd: {  	[smem:$0x3FB0] =	sst s5  }
0xe: {  	[smem:$0x3FB1] =	sst s6  }
0xf: {  	[smem:$0x3FB2] =	sst s7  }
0x10: {  	[smem:$0x3FB3] =	sst s8  }
0x11: {  	[smem:$0x3FB4] =	sst s9;
	s0 =	simm.s32 @!p0 $0x0  }
0x12: {  	s1 =	sld [smem:$0x3F9A];
	s0 =	simm.s32 @p0 $0x1  }
0x13: {  	[smem:$0x3FB5] =	sst s0;
	s0 =	simm.s32 @!p1 $0x0  }
0x14: {  	s2 =	sld [smem:$0x3F99];
	s0 =	simm.s32 @p1 $0x1  }
0x15: {  	[smem:$0x3FB6] =	sst s0;
	s0 =	simm.s32 @!p2 $0x0  }
0x16: {  	s3 =	sld [smem:$0x3FDB];
	s0 =	simm.s32 @p2 $0x1  }
0x17: {  	s4 =	simm.s32 $0x1BF5;
	[smem:$0x3FB8] =	sst s0  }
0x18: {  	s0 =	sld [smem:$0x3F9B];
	_ =	swait.ge [sflag:s4], $0x0  }
0x19: {  	s7 =	sld [smem:$0x3F9C]  }
0x1a: {  	s8 =	sadd.s32 $0xFFFFE003, lr  }
0x1b: {  	s9 =	sadd.s32 $0xFFFFFEF7, lr;
	s5 =	simm.s32 $0xFFFFFFFF;
	p2 =	slt.u32 s8, $0xFFFFF086  }
0x1c: {  	p1 =	slt.u32 s9, $0xF7A;
	s5 =	simm.s32 @!p2 $0x0  }
0x1d: {  	s5 =	simm.s32 @p1 $0x1;
	p0 =	seq.s32 s7, s2  }
0x1e: {  	s7 =	smul.u32 @!p0 $0xF7A, s2;
	p2 =	seq.s32 @!p0 s5, $0x0  }
0x1f: {  	s9 =	smul.u32 $0xF7A, s1;
	s8 =	simm.s32 @!p0 $0x1BF5;
	p2 =	por !p2, p0  }
0x20: {  	[sflag:s8] =	ssyncset.s32 @!p0 $0xFFFFF086;
	s6 =	sadd.s32 @!p0 s3, s7;
	s7 =	simm.s32 @!p0 $0x108  }
0x21: {  	s3 =	sadd.s32 s3, s9;
	s6 =	sadd.s32 @!p0 $0x88, s6;
	s7 =	simm.s32 @p2 $0x1082  }
0x22: {  	[simem:s7], [sflag:s8] =	dma.local @!p0 [hbm:s6], $0xF7A  }
0x23: {  	s9 =	sor.u32 $0xD0000000, s2;
	s6 =	simm.s32 $0x108;
	_ =	swait.ge @!p0 [sflag:s8], $0x0  }
0x24: {  	s3 =	sadd.s32 $0x88, s3;
	s6 =	simm.s32 @!p1 $0x1082;
	[sflag:s4] =	ssyncset.s32 $0xFFFFF086  }
0x25: {  	[simem:s6], [sflag:s4] =	dma.local [hbm:s3], $0xF7A  }
0x26: {  	[smem:$0x3F9C] =	sst s1;
	(tag) =	ssettag s2;
	_ =	strace s9  }
0x27: {  	s1 =	sld [smem:$0x3FAC]  }
0x28: {  	s2 =	sld [smem:$0x3FAD]  }
0x29: {  	s4 =	sld [smem:$0x3FAF]  }
0x2a: {  	p0 =	seq.s32 s5, $0x0;
	s5 =	sld [smem:$0x3FB0]  }
0x2b: {  	s6 =	sld [smem:$0x3FB1]  }
0x2c: {  	s7 =	sld [smem:$0x3FB2]  }
0x2d: {  	s3 =	simm.s32 $0x108;
	s8 =	sld [smem:$0x3FB3]  }
0x2e: {  	s3 =	simm.s32 @!p0 $0x1082;
	s9 =	sld [smem:$0x3FB4]  }
0x2f: {  	lr =	sadd.s32 s0, s3;
	s0 =	sld [smem:$0x3FAB]  }
0x30: {  	s3 =	sld [smem:$0x3FAE]  }
0x31: {  	[smem:$0x3FB7] =	sst s10  }
0x32: {  	s10 =	sld [smem:$0x3FB5];
	_ =	sdelay $0x3  }
0x33: {  	p0 =	seq.s32 s10, $0x1;
	s10 =	sld [smem:$0x3FB7];
	_ =	sdelay $0x3  }
0x34: {  	[smem:$0x3FB7] =	sst s10  }
0x35: {  	s10 =	sld [smem:$0x3FB6];
	_ =	sdelay $0x3  }
0x36: {  	p1 =	seq.s32 s10, $0x1;
	s10 =	sld [smem:$0x3FB7];
	_ =	sdelay $0x3  }
0x37: {  	[smem:$0x3FB7] =	sst s10  }
0x38: {  	s10 =	sld [smem:$0x3FB8]  }
0x39: {  	_ = 	snop;
	(pc) =	sbr.ind lr, $3  }
0x3a: {  	_ = 	snop  }
0x3b: {  	_ = 	snop  }
0x3c: {  	p2 =	seq.s32 s10, $0x1;
	s10 =	sld [smem:$0x3FB7]  }
0x3d: {  	_ =	shalt  }
0x3e: {  	_ =	shalt  }
0x3f: {  	_ =	shalt  }
0x40: {  	_ =	shalt  }
0x41: {  	_ =	shalt  }
0x42: {  	_ =	shalt  }
0x43: {  	_ =	shalt  }
0x44: {  	_ =	shalt  }
0x45: {  	_ =	shalt  }
0x46: {  	_ =	shalt  }
0x47: {  	_ =	shalt  }
0x48: {  	_ =	shalt  }
0x49: {  	_ =	shalt  }
0x4a: {  	_ =	shalt  }
0x4b: {  	_ =	shalt  }
0x4c: {  	_ =	shalt  }
0x4d: {  	_ =	shalt  }
0x4e: {  	_ =	shalt  }
0x4f: {  	_ =	shalt  }
0x50: {  	_ =	shalt  }
0x51: {  	_ =	shalt  }
0x52: {  	_ =	shalt  }
0x53: {  	_ =	shalt  }
0x54: {  	_ =	shalt  }
0x55: {  	_ =	shalt  }
0x56: {  	_ =	shalt  }
0x57: {  	_ =	shalt  }
0x58: {  	_ =	shalt  }
0x59: {  	_ =	shalt  }
0x5a: {  	_ =	shalt  }
0x5b: {  	_ =	shalt  }
0x5c: {  	_ =	shalt  }
0x5d: {  	_ =	shalt  }
0x5e: {  	_ =	shalt  }
0x5f: {  	_ =	shalt  }
0x60: {  	_ =	shalt  }
0x61: {  	_ =	shalt  }
0x62: {  	_ =	shalt  }
0x63: {  	_ =	shalt  }
0x64: {  	_ =	shalt  }
0x65: {  	_ =	shalt  }
0x66: {  	_ =	shalt  }
0x67: {  	_ =	shalt  }
0x68: {  	_ =	shalt  }
0x69: {  	_ =	shalt  }
0x6a: {  	_ =	shalt  }
0x6b: {  	_ =	shalt  }
0x6c: {  	_ =	shalt  }
0x6d: {  	_ =	shalt  }
0x6e: {  	_ =	shalt  }
0x6f: {  	_ =	shalt  }
0x70: {  	_ =	shalt  }
0x71: {  	_ =	shalt  }
0x72: {  	_ =	shalt  }
0x73: {  	_ =	shalt  }
0x74: {  	_ =	shalt  }
0x75: {  	_ =	shalt  }
0x76: {  	_ =	shalt  }
0x77: {  	_ =	shalt  }
0x78: {  	_ =	shalt  }
0x79: {  	_ =	shalt  }
0x7a: {  	_ =	shalt  }
0x7b: {  	_ =	shalt  }
0x7c: {  	_ =	shalt  }
0x7d: {  	_ =	shalt  }
0x7e: {  	_ =	shalt  }
0x7f: {  	_ =	shalt  }
0x80: {  	_ =	shalt  }
0x81: {  	_ =	shalt  }
0x82: {  	_ =	shalt  }
0x83: {  	_ =	shalt  }
0x84: {  	_ =	shalt  }
0x85: {  	_ =	shalt  }
0x86: {  	_ =	shalt  }
0x87: {  	_ =	shalt  }
.Lfunc_end0:
.L_simem_size_0:
called_computation_lowered:
.L_overlay_start_0:
0x88: {  	s2 =	sld [smem:$0x3FD9]  }
0x89: {  	s3 =	sld [smem:$0x3FFE];
	_ =	sdelay $0x1  }
0x8a: {  	s1 =	srdreg.scid  }
0x8b: {  	s0 =	sand.u32 $0x1, s1  }
0x8c: {  	s17 =	sshll.u32 s0, $0xA;
	s2 =	sadd.s32 s3, s2  }
0x8d: {  	s2 =	sadd.s32 s2, s17  }
0x8e: {  	[smem:$0x3FC3] =	sst s2  }
0x8f: {  	_ = 	snop  }
0x90: {  	s2 =	sld [smem:$0x3FC7]  }
0x91: {  	s18 =	sld [smem:$0x3FC6]  }
0x92: {  	s4 =	sld [smem:$0x3FC5]  }
0x93: {  	s5 =	sld [smem:$0x3FD0];
	(tm) =	ssettm $0x1  }
0x94: {  	s6 =	sld [smem:$0x3FFB];
	_ =	sdelay $0x3  }
0x95: {  	_ =	strace s6  }
0x96: {  	s6 =	sld [smem:$0x3FFC];
	_ =	sdelay $0x3  }
0x97: {  	_ =	strace s6  }
0x98: {  	s6 =	sld [smem:$0x3FFD];
	_ =	sdelay $0x3  }
0x99: {  	_ =	strace s6  }
0x9a: {  	_ =	strace $0x8FFFFFFF  }
0x9b: {  	s19 =	sld [smem:$0x3FDB];
	_ =	sdelay $0x1  }
0x9c: {  	s7 =	simm.s32 $_scs_section_size  }
0x9d: {  	s8 =	simm.s32 $_size__tile_overlayer_lowered;
	s9 =	simm.s32 $_tile_overlayer_lowered  }
0x9e: {  	s22 =	simm.s32 $0x1BFF;
	s21 =	sshll.u32 s9, $0x1;
	s6 =	sadd.s32 s7, s19  }
0x9f: {  	s10 =	simm.s32 $0x0;
	s20 =	sshll.u32 s8, $0x1;
	s8 =	sadd.s32 s21, s6  }
0xa0: {  	[timem:s10], [sflag:s22] =	dma.local [hbm:s8], s20  }
0xa1: {  	_ =	swait.ge [sflag:s22], s20  }
0xa2: {  	s7 =	ssub.s32 $0x0, s20;
	[sflag:s22] =	ssyncset.done $0x0  }
0xa3: {  	[sflag:s22] =	ssyncadd.s32 s7;
	_ =	sdelay $0x1  }
0xa4: {  	s23 =	simm.s32 $0x1B8B  }
0xa5: {  	_ =	swait.ge [sflag:s23], $0x1  }
0xa6: {  	[sflag:s23] =	ssyncset.done $0x0  }
0xa7: {  	s25 =	simm.s32 $0x1B8E;
	s24 =	sld [smem:$0x3FFE];
	[sflag:s23] =	ssyncadd.s32 $0xFFFFFFFF  }
0xa8: {  	s26 =	simm.s32 $execute0_lowered;
	[smem:$0x3FD2] =	sst s25  }
0xa9: {  	s8 =	sshll.u32 s26, $0x1;
	_ =	strace $0x80000046;
	[dreg:$0x1] =	wrdreg $0xFFFFFFFF  }
0xaa: {  	s28 =	simm.s32 $_size_execute0_lowered;
	s6 =	sadd.s32 s6, s8;
	[dreg:$0x0] =	wrdreg $0x0  }
0xab: {  	s8 =	sshll.u32 s28, $0x1;
	[dreg:$0x2] =	wrdreg s6  }
0xac: {  	[dreg:$0x3] =	wrdreg s8  }
0xad: {  	[dreg:$0x4] =	wrdreg $0xC0  }
0xae: {  	_ =	task [dreg:s10], $0x5FFFF  }
0xaf: {  	[dreg:$0x1] =	wrdreg $0xFFFFFFFF  }
0xb0: {  	[dreg:$0x0] =	wrdreg $0x60  }
0xb1: {  	[dreg:$0x2] =	wrdreg s2  }
0xb2: {  	[dreg:$0x3] =	wrdreg s18  }
0xb3: {  	[dreg:$0x4] =	wrdreg s4  }
0xb4: {  	[dreg:$0x5] =	wrdreg s5  }
0xb5: {  	[dreg:$0x6] =	wrdreg s24  }
0xb6: {  	[dreg:$0x7] =	wrdreg $0x9  }
0xb7: {  	_ =	task.clear_ibuf [dreg:s10], $0x8FFFF;
	_ =	strace $0x90000046  }
0xb8: {  	s29 =	simm.s32 $0x9;
	_ =	strace $0x80000048  }
0xb9: {  	_ =	swait.ge [sflag:s29], $0x1  }
0xba: {  	[sflag:s29] =	ssyncadd.s32 $0xFFFFFFFF  }
0xbb: {  	_ =	strace $0x90000048  }
0xbc: {  	_ =	sfence  }
0xbd: {  	s30 =	sld [smem:$0x0];
	_ =	sdelay $0x2  }
0xbe: {  	s31 =	sshll.u32 s1, $0xD;
	s1 =	sshrl.u32 s1, $0x2  }
0xbf: {  	s3 =	sand.u32 $0x4000, s31;
	s1 =	sadd.s32 s1, s30  }
0xc0: {  	s0 =	sor.u32 s3, s0;
	s1 =	sshll.u32 s1, $0x11  }
0xc1: {  	s0 =	sor.u32 s1, s0  }
0xc2: {  	s0 =	sadd.s32 $0x8F2B, s0  }
0xc3: {  	[sflag:s0] =	ssyncadd.remote.s32 $0x1  }
0xc4: {  	_ =	sfence.sel $0xFFFF  }
0xc5: {  	[dreg:$0x0] =	wrdreg $0xFFFFFFFF;
	(pc) =	sbr.abs _section_cstart, $3  }
0xc6: {  	[dreg:$0x1] =	wrdreg $0xFFFFFFFF  }
0xc7: {  	_ =	task.clear_ibuf [dreg:s10], $0x2FFFF;
	_ =	strace $0x9FFFFFFF  }
0xc8: {  	(tm) =	ssettm $0x7FFFFFFF  }
0xc9: {  	_ =	shalt  }
tec
execute0_lowered:
.L_overlay_start_1:
0x0: {  	(tag) =	ssettag $0x1  }
0x1: {  	s1 =	rddreg [dreg:$0x0]  }
0x2: {  	s2 =	rddreg [dreg:$0x1]  }
0x3: {  	s5 =	rddreg [dreg:$0x2]  }
0x4: {  	s6 =	rddreg [dreg:$0x3]  }
0x5: {  	s7 =	rddreg [dreg:$0x4]  }
0x6: {  	s0 =	rddreg [dreg:$0x5];
	s4 =	simm.s32 $0x0;
	s8 =	srdreg.scid  }
0x7: {  	s3 =	stileid.u32;
	s11 =	simm.s32 $0x1;
	s12 =	simm.s32 $0xA00  }
0x8: {  	s13 =	simm.s32 $0xC00;
	s14 =	simm.s32 $0x0;
	s8 =	sand.u32 $0x1, s8  }
0x9: {  	[smem:$0x7FF] =	sst s4;
	s9 =	sshll.u32 s3, $0x7;
	s10 =	sshll.u32 s8, $0x6  }
0xa: {  	s8 =	ssub.s32 $0x2, s8;
	_ =	strace $0x80000047;
	s9 =	sor.u32 s10, s9  }
0xb: {  	s31 =	sshrl.u32 s8, $0x1;
	s10 =	simm.s32 $0x600;
	s7 =	sadd.s32 s9, s7  }
0xc: {  	s8 =	ssub.s32 s8, s31;
	s5 =	sadd.s32 s5, s9;
	s6 =	sadd.s32 s6, s9  }
0xd: {  	s9 =	simm.s32 $0x200;
	s7 =	sadd.s32 $0x1000, s7;
	s8 =	smax.u32 s8, $0x1  }
.LBB2_1:
0xe: {  	[tilespmem:s4], [sflag:$0x1] =	stream.linear.gather [hbm4b:s5+s4], $0x200, $0x38;
	[tilespmem:$0xE00] =	vst v63  }
0xf: {  	_ = 	snop  }
0x10: {  	[tilespmem:s9], [sflag:$0x1] =	stream.linear.gather [hbm4b:s1+s4], $0x400, $0x38;
	[tilespmem:$0xE00] =	vst v63  }
0x11: {  	_ = 	snop  }
0x12: {  	[tilespmem:s10], [sflag:$0x1] =	stream.linear.gather [hbm4b:s2+s4], $0x400, $0x38;
	[tilespmem:$0xE00] =	vst v63  }
0x13: {  	_ =	swait.ge [sflag:s11], $0x200  }
0x14: {  	[sflag:s11] =	ssyncset.done $0x0  }
0x15: {  	[sflag:s11] =	ssyncadd.s32 $0xFFFFFE00  }
0x16: {  	_ =	swait.ge [sflag:s11], $0x400  }
0x17: {  	[sflag:s11] =	ssyncset.done $0x0  }
0x18: {  	[sflag:s11] =	ssyncadd.s32 $0xFFFFFC00  }
0x19: {  	_ =	swait.ge [sflag:s11], $0x400  }
0x1a: {  	[sflag:s11] =	ssyncset.done $0x0  }
0x1b: {  	s15 =	simm.s32 $0x40;
	[sflag:s11] =	ssyncadd.s32 $0xFFFFFC00  }
0x1c: {  	v0 =	vld [tilespmem:s15+$0x30]  }
0x1d: {  	v1 =	vld [tilespmem:s15+$0xFFFFFFD0]  }
0x1e: {  	v2 =	vld [tilespmem:s15+$0xFFFFFFE0]  }
0x1f: {  	v3 =	vld [tilespmem:s15+$0xFFFFFFF0]  }
0x20: {  	v4 =	vld [tilespmem:s15+$0x0]  }
0x21: {  	v5 =	vld [tilespmem:s15+$0x10]  }
0x22: {  	v6 =	vld [tilespmem:s15+$0x20]  }
0x23: {  	v7 =	vld [tilespmem:s15+$0xFFFFFFC0]  }
0x24: {  	v8 =	vld.idx.msk [tilespmem:v0+s9+$0x0], $0xffff  }
0x25: {  	v9 =	vld.idx.msk [tilespmem:v1+s9+$0x0], $0xffff  }
0x26: {  	v10 =	vld.idx.msk [tilespmem:v2+s9+$0x0], $0xffff  }
0x27: {  	v11 =	vld.idx.msk [tilespmem:v3+s9+$0x0], $0xffff  }
0x28: {  	v12 =	vld.idx.msk [tilespmem:v4+s9+$0x0], $0xffff  }
0x29: {  	s15 =	simm.s32 $0xA40;
	v13 =	vld.idx.msk [tilespmem:v5+s9+$0x0], $0xffff  }
0x2a: {  	v14 =	vld.idx.msk [tilespmem:v6+s9+$0x0], $0xffff;
	[tilespmem:s15+$0x30] =	vst v8  }
0x2b: {  	v62 =	vld.idx.msk [tilespmem:v7+s9+$0x0], $0xffff;
	[tilespmem:s15+$0xFFFFFFD0] =	vst v9  }
0x2c: {  	[tilespmem:s15+$0xFFFFFFE0] =	vst v10;
	v8 =	vld.idx.msk [tilespmem:v0+s10+$0x0], $0xffff  }
0x2d: {  	[tilespmem:s15+$0xFFFFFFF0] =	vst v11;
	v63 =	vld.idx.msk [tilespmem:v1+s10+$0x0], $0xffff  }
0x2e: {  	[tilespmem:s15+$0x0] =	vst v12;
	v0 =	vld.idx.msk [tilespmem:v2+s10+$0x0], $0xffff  }
0x2f: {  	[tilespmem:s15+$0x10] =	vst v13;
	v1 =	vld.idx.msk [tilespmem:v3+s10+$0x0], $0xffff  }
0x30: {  	[tilespmem:s15+$0x20] =	vst v14;
	v2 =	vld.idx.msk [tilespmem:v4+s10+$0x0], $0xffff  }
0x31: {  	s16 =	simm.s32 $0xC40;
	[tilespmem:s15+$0xFFFFFFC0] =	vst v62;
	v3 =	vld.idx.msk [tilespmem:v5+s10+$0x0], $0xffff  }
0x32: {  	v4 =	vld.idx.msk [tilespmem:v6+s10+$0x0], $0xffff;
	[tilespmem:s16+$0x30] =	vst v8  }
0x33: {  	s17 =	simm.s32 $0x0;
	s18 =	simm.s32 $0xC0;
	v5 =	vld.idx.msk [tilespmem:v7+s10+$0x0], $0xffff;
	[tilespmem:s16+$0xFFFFFFD0] =	vst v63  }
.LBB2_2:
0x34: {  	v6 =	vld [tilespmem:s18+$0x30];
	s17 =	sadd.s32 $0x80, s17;
	[tilespmem:s16+$0xFFFFFFE0] =	vst v0  }
0x35: {  	v0 =	vld [tilespmem:s18+$0xFFFFFFD0];
	p0 =	slt.u32 s17, $0x180;
	[tilespmem:s16+$0xFFFFFFF0] =	vst v1  }
0x36: {  	v1 =	vld [tilespmem:s18+$0xFFFFFFE0];
	[tilespmem:s16+$0x0] =	vst v2  }
0x37: {  	v2 =	vld [tilespmem:s18+$0xFFFFFFF0];
	[tilespmem:s16+$0x10] =	vst v3  }
0x38: {  	v3 =	vld [tilespmem:s18+$0x0];
	[tilespmem:s16+$0x20] =	vst v4  }
0x39: {  	v4 =	vld [tilespmem:s18+$0x10];
	[tilespmem:s16+$0xFFFFFFC0] =	vst v5  }
0x3a: {  	v5 =	vld [tilespmem:s18+$0x20]  }
0x3b: {  	v7 =	vld [tilespmem:s18+$0xFFFFFFC0]  }
0x3c: {  	v8 =	vld.idx.msk [tilespmem:v6+s9+$0x0], $0xffff  }
0x3d: {  	v9 =	vld.idx.msk [tilespmem:v0+s9+$0x0], $0xffff  }
0x3e: {  	v10 =	vld.idx.msk [tilespmem:v1+s9+$0x0], $0xffff  }
0x3f: {  	v11 =	vld.idx.msk [tilespmem:v2+s9+$0x0], $0xffff  }
0x40: {  	v12 =	vld.idx.msk [tilespmem:v3+s9+$0x0], $0xffff  }
0x41: {  	s15 =	sadd.s32 $0x80, s15;
	v13 =	vld.idx.msk [tilespmem:v4+s9+$0x0], $0xffff  }
0x42: {  	v14 =	vld.idx.msk [tilespmem:v5+s9+$0x0], $0xffff;
	[tilespmem:s15+$0x30] =	vst v8  }
0x43: {  	[tilespmem:s15+$0xFFFFFFD0] =	vst v9;
	v6 =	vld.idx.msk [tilespmem:v6+s10+$0x0], $0xffff  }
0x44: {  	v8 =	vld.idx.msk [tilespmem:v7+s9+$0x0], $0xffff;
	[tilespmem:s15+$0xFFFFFFE0] =	vst v10  }
0x45: {  	v9 =	vld.idx.msk [tilespmem:v0+s10+$0x0], $0xffff;
	[tilespmem:s15+$0xFFFFFFF0] =	vst v11  }
0x46: {  	v0 =	vld.idx.msk [tilespmem:v1+s10+$0x0], $0xffff;
	[tilespmem:s15+$0x0] =	vst v12  }
.Ltmp0:
0x47: {  	v1 =	vld.idx.msk [tilespmem:v2+s10+$0x0], $0xffff;
	[tilespmem:s15+$0x10] =	vst v13;
	(pc) =	sbr.rel @p0 .LBB2_2-.Ltmp0, $4  }
0x48: {  	s16 =	sadd.s32 $0x80, s16;
	v2 =	vld.idx.msk [tilespmem:v3+s10+$0x0], $0xffff;
	[tilespmem:s15+$0x20] =	vst v14  }
0x49: {  	v3 =	vld.idx.msk [tilespmem:v4+s10+$0x0], $0xffff;
	[tilespmem:s16+$0x30] =	vst v6  }
0x4a: {  	[tilespmem:s15+$0xFFFFFFC0] =	vst v8;
	v4 =	vld.idx.msk [tilespmem:v5+s10+$0x0], $0xffff  }
0x4b: {  	s18 =	sadd.s32 $0x80, s18;
	v5 =	vld.idx.msk [tilespmem:v7+s10+$0x0], $0xffff;
	[tilespmem:s16+$0xFFFFFFD0] =	vst v9  }
0x4c: {  	[tilespmem:s16+$0xFFFFFFE0] =	vst v0  }
0x4d: {  	[tilespmem:s16+$0xFFFFFFF0] =	vst v1  }
0x4e: {  	[tilespmem:s16+$0x0] =	vst v2  }
0x4f: {  	[tilespmem:s16+$0x10] =	vst v3  }
0x50: {  	[tilespmem:s16+$0x20] =	vst v4  }
0x51: {  	[tilespmem:s16+$0xFFFFFFC0] =	vst v5  }
0x52: {  	[hbm4b:s6+s4] =	stream.linear.scatter [tilespmem:s12], [sflag:$0x1], $0x200, $0x38;
	[tilespmem:$0xE00] =	vst v63  }
0x53: {  	s14 =	sadd.s32 $0x1, s14  }
0x54: {  	[hbm4b:s7+s4] =	stream.linear.scatter [tilespmem:s13], [sflag:$0x1], $0x200, $0x38;
	[tilespmem:$0xE00] =	vst v63  }
0x55: {  	p0 =	sne.s32 s14, s8;
	_ =	swait.ge [sflag:s11], $0x200  }
.Ltmp1:
0x56: {  	[sflag:s11] =	ssyncset.done $0x0;
	(pc) =	sbr.rel @p0 .LBB2_1-.Ltmp1, $4  }
0x57: {  	[sflag:s11] =	ssyncadd.s32 $0xFFFFFE00  }
0x58: {  	_ =	swait.ge [sflag:s11], $0x200  }
0x59: {  	[sflag:s11] =	ssyncset.done $0x0  }
0x5a: {  	[sflag:s11] =	ssyncadd.s32 $0xFFFFFE00  }
0x5b: {  	_ =	sfence.sel $0x180000  }
0x5c: {  	[bflag:$0x0] =	sbarrier.arrive $0xFFFF  }
0x5d: {  	p0 =	sne.s32 s3, $0x0;
	_ =	strace $0x90000047  }
0x5e: {  	s0 =	sadd.s32 @!p0 $0x100000, s0;
	[bflag:$0x2] =	sbarrier.arrive $0xFFFF  }
0x5f: {  	[sflag:s0] =	ssyncadd.tile.s32 @!p0 $0x1;
	_ =	shalt  }
.Lfunc_end2:
_tile_overlayer_lowered:
.L_overlay_start_2:
0x60: {  	(tag) =	ssettag $0x2  }
0x61: {  	s0 =	rddreg [dreg:$0x0];
	s2 =	stileid.u32  }
0x62: {  	s1 =	rddreg [dreg:$0x1];
	p0 =	sne.s32 s2, $0x0  }
0x63: {  	s3 =	rddreg [dreg:$0x2];
	[bflag:$0x3] =	sbarrier.arrive $0xFFFF;
	s2 =	simm.s32 @!p0 $0x1C02  }
0x64: {  	[timem:s3], [sflag:s2] =	dma.local @!p0 [hbm:s0], s1  }
0x65: {  	s0 =	simm.s32 @!p0 $0x2  }
0x66: {  	_ =	swait.ge @!p0 [sflag:s0], s1  }
0x67: {  	s1 =	ssub.s32 @!p0 $0x0, s1;
	[sflag:s0] =	ssyncset.done @!p0 $0x0  }
0x68: {  	[sflag:s0] =	ssyncadd.s32 @!p0 s1  }
0x69: {  	[bflag:$0x3] =	sbarrier.arrive $0xFFFF  }
0x6a: {  	_ =	shalt  }

</sc_bundles>
